<compile_context>
chip_gen: v7x
topology: tpu7x:2x2x1
jax: 0.10.2.dev20260603
libtpu: 0.0.44.dev20260713+nightly
codegen_flags: <defaults>
</compile_context>

<pallas_src>
import functools

import jax
import jax.numpy as jnp
from jax import lax
from jax.experimental import pallas as pl
from jax.experimental.pallas import tpu as pltpu
from jax.experimental.pallas import tpu_sc as plsc

N_IN = 16777216
N_OUT = 2 * N_IN
NUM_CORES = 2
NUM_SUBCORES = 16
NW = NUM_CORES * NUM_SUBCORES
S = N_IN // NW
C = 65528
CHUNKS = [(i * C, C) for i in range(8)] + [(8 * C, S - 8 * C)]
NCHUNK = len(CHUNKS)
NB = 2

_mesh = plsc.VectorSubcoreMesh(
    core_axis_name="c", subcore_axis_name="s", num_cores=NUM_CORES)


@functools.partial(
    pl.kernel,
    mesh=_mesh,
    out_type=jax.ShapeDtypeStruct((N_OUT,), jnp.float32),
    scratch_types=[
        pltpu.VMEM((C,), jnp.float32),
        pltpu.VMEM((C,), jnp.float32),
        pltpu.SemaphoreType.DMA,
        pltpu.SemaphoreType.DMA,
        pltpu.SemaphoreType.DMA,
        pltpu.SemaphoreType.DMA,
    ],
)
def _copy_lower(psi_hbm, out_hbm, buf0, buf1,
                sem_r0, sem_r1, sem_w0, sem_w1):
    wid = lax.axis_index("s") * NUM_CORES + lax.axis_index("c")
    base = wid * S
    bufs = (buf0, buf1)
    sem_r = (sem_r0, sem_r1)
    sem_w = (sem_w0, sem_w1)

    def staged(i):
        sz = CHUNKS[i][1]
        b = i % NB
        return bufs[b] if sz == C else bufs[b].at[pl.ds(0, sz)]

    def read(i):
        off, sz = CHUNKS[i]
        return pltpu.async_copy(
            psi_hbm.at[pl.ds(base + off, sz)], staged(i), sem_r[i % NB])

    def write(i):
        off, sz = CHUNKS[i]
        return pltpu.async_copy(
            staged(i), out_hbm.at[pl.ds(base + off, sz)], sem_w[i % NB])

    rd, wr = {}, {}
    for i in range(NB):
        rd[i] = read(i)
    for j in range(NB - 1):
        rd[j].wait()
        wr[j] = write(j)
    for i in range(NB, NCHUNK + 1):
        if i < NCHUNK:
            wr[i - NB].wait()
            rd[i] = read(i)
        j = i - 1
        rd[j].wait()
        wr[j] = write(j)
    for j in range(NCHUNK - NB, NCHUNK):
        wr[j].wait()


ZBLK = 1048576
NZBLK = N_IN // ZBLK


def _zero_upper_body(full_ref, out_ref):
    out_ref[...] = jnp.zeros((ZBLK,), jnp.float32)


_zero_upper = pl.pallas_call(
    _zero_upper_body,
    grid=(NZBLK,),
    in_specs=[pl.BlockSpec(memory_space=pl.ANY)],
    out_specs=pl.BlockSpec((ZBLK,), lambda i: (NZBLK + i,)),
    out_shape=jax.ShapeDtypeStruct((N_OUT,), jnp.float32),
    input_output_aliases={0: 0},
)


def kernel(psi):
    return _zero_upper(_copy_lower(psi))

# --- scband reference (transcript-rebuilt; emitter-appended) ---
"""Pipeline reference for scband-add-0-ancilla-6262062318005 (READ-ONLY COPY).

The authoritative reference and input builder live on the scoring server;
editing this copy changes nothing except your own understanding.
"""

import jax, jax.numpy as jnp
import numpy as np

P = 0  # ancilla qubit position (init kwarg p)

def _zero_bit_indices(N, p):
    # Faithful port of next(gate_implementation.split_by_bits(N, (p,))):
    # the first yielded index set is all basis states whose bit at qubit
    # position p (MSB-first qubit ordering) equals 0.
    n = int(np.log2(N))
    bitpos = n - 1 - p
    i = np.arange(N, dtype=np.int64)
    return jnp.asarray(i[((i >> bitpos) & 1) == 0])

def setup_inputs(seed: int = 0) -> dict:
    key = jax.random.key(seed)
    psi = jax.random.normal(key, (16777216,), dtype=jnp.float32)
    return {"psi": psi}

def reference(psi):
    # apply_forward: N = 2 * len(psi); psi_out = zeros(N, ...); psi_out[_0] += psi
    N = 2 * psi.shape[0]
    idx = _zero_bit_indices(N, P)
    psi_out = jnp.zeros((N,) + psi.shape[1:], dtype=psi.dtype)
    psi_out = psi_out.at[idx].add(psi)
    return psi_out

if __name__ == "__main__":
    import jax
    _d = setup_inputs()
    print(jax.jit(kernel)(*tuple(_d.values())))

</pallas_src>

<mosaic_0001>
#map = affine_map<(d0, d1) -> (0)>
module attributes {stable_mosaic.version = 14 : i64} {
  func.func @_copy_lower(%arg0: i32, %arg1: i32, %arg2: memref<16777216xf32, #tpu.memory_space<hbm>>, %arg3: memref<33554432xf32, #tpu.memory_space<hbm>>, %arg4: memref<65528xf32, #tpu.memory_space<vmem>>, %arg5: memref<65528xf32, #tpu.memory_space<vmem>>, %arg6: memref<!tpu.dma_semaphore, #tpu.memory_space<semaphore_mem>>, %arg7: memref<!tpu.dma_semaphore, #tpu.memory_space<semaphore_mem>>, %arg8: memref<!tpu.dma_semaphore, #tpu.memory_space<semaphore_mem>>, %arg9: memref<!tpu.dma_semaphore, #tpu.memory_space<semaphore_mem>>) attributes {dimension_semantics = [#tpu.dimension_semantics<core_parallel>, #tpu.dimension_semantics<subcore_parallel>], iteration_bounds = array<i64: 2, 16>, scalar_prefetch = 0 : i64, scratch_operands = 6 : i64, tpu.core_type = #tpu.core_type<sc_vector_subcore>, window_params = [{transform_indices = #map}, {transform_indices = #map}]} {
    %mul3A = arith.constant 2 : i32
    %mul3A_0 = arith.muli %arg1, %mul3A : i32
    %add3A = arith.addi %mul3A_0, %arg0 : i32
    %mul3A_1 = arith.constant 524288 : i32
    %mul3A_2 = arith.muli %add3A, %mul3A_1 : i32
    %add3A_3 = arith.constant 0 : i32
    %add3A_4 = arith.addi %mul3A_2, %add3A_3 : i32
    %dma_start3A = tpu.memref_slice %arg2[%add3A_4] : memref<16777216xf32, #tpu.memory_space<hbm>> -> memref<65528xf32, #tpu.memory_space<hbm>>
    %dma_start3A_5 = tpu.memref_slice %arg2[%add3A_4] : memref<16777216xf32, #tpu.memory_space<hbm>> -> memref<65528xf32, #tpu.memory_space<hbm>>
    tpu.enqueue_dma source(%dma_start3A_5 : memref<65528xf32, #tpu.memory_space<hbm>>) target(%arg4 : memref<65528xf32, #tpu.memory_space<vmem>>) target_semaphore(%arg6 : memref<!tpu.dma_semaphore, #tpu.memory_space<semaphore_mem>>)
    %add3A_6 = arith.constant 65528 : i32
    %add3A_7 = arith.addi %mul3A_2, %add3A_6 : i32
    %dma_start3A_8 = tpu.memref_slice %arg2[%add3A_7] : memref<16777216xf32, #tpu.memory_space<hbm>> -> memref<65528xf32, #tpu.memory_space<hbm>>
    %dma_start3A_9 = tpu.memref_slice %arg2[%add3A_7] : memref<16777216xf32, #tpu.memory_space<hbm>> -> memref<65528xf32, #tpu.memory_space<hbm>>
    tpu.enqueue_dma source(%dma_start3A_9 : memref<65528xf32, #tpu.memory_space<hbm>>) target(%arg5 : memref<65528xf32, #tpu.memory_space<vmem>>) target_semaphore(%arg7 : memref<!tpu.dma_semaphore, #tpu.memory_space<semaphore_mem>>)
    %dma_wait3A = tpu.memref_slice %arg2[%add3A_4] : memref<16777216xf32, #tpu.memory_space<hbm>> -> memref<65528xf32, #tpu.memory_space<hbm>>
    %dma_wait3A_10 = tpu.memref_slice %arg2[%add3A_4] : memref<16777216xf32, #tpu.memory_space<hbm>> -> memref<65528xf32, #tpu.memory_space<hbm>>
    tpu.wait_dma2 semaphore(%arg6 : memref<!tpu.dma_semaphore, #tpu.memory_space<semaphore_mem>>) src(%dma_wait3A_10 : memref<65528xf32, #tpu.memory_space<hbm>>) dst(%arg4 : memref<65528xf32, #tpu.memory_space<vmem>>)
    %add3A_11 = arith.constant 0 : i32
    %add3A_12 = arith.addi %mul3A_2, %add3A_11 : i32
    %dma_start3A_13 = tpu.memref_slice %arg3[%add3A_12] : memref<33554432xf32, #tpu.memory_space<hbm>> -> memref<65528xf32, #tpu.memory_space<hbm>>
    %dma_start3A_14 = tpu.memref_slice %arg3[%add3A_12] : memref<33554432xf32, #tpu.memory_space<hbm>> -> memref<65528xf32, #tpu.memory_space<hbm>>
    tpu.enqueue_dma source(%arg4 : memref<65528xf32, #tpu.memory_space<vmem>>) target(%dma_start3A_14 : memref<65528xf32, #tpu.memory_space<hbm>>) target_semaphore(%arg8 : memref<!tpu.dma_semaphore, #tpu.memory_space<semaphore_mem>>)
    %dma_wait3A_15 = tpu.memref_slice %arg3[%add3A_12] : memref<33554432xf32, #tpu.memory_space<hbm>> -> memref<65528xf32, #tpu.memory_space<hbm>>
    %dma_wait3A_16 = tpu.memref_slice %arg3[%add3A_12] : memref<33554432xf32, #tpu.memory_space<hbm>> -> memref<65528xf32, #tpu.memory_space<hbm>>
    tpu.wait_dma2 semaphore(%arg8 : memref<!tpu.dma_semaphore, #tpu.memory_space<semaphore_mem>>) src(%arg4 : memref<65528xf32, #tpu.memory_space<vmem>>) dst(%dma_wait3A_16 : memref<65528xf32, #tpu.memory_space<hbm>>)
    %add3A_17 = arith.constant 131056 : i32
    %add3A_18 = arith.addi %mul3A_2, %add3A_17 : i32
    %dma_start3A_19 = tpu.memref_slice %arg2[%add3A_18] : memref<16777216xf32, #tpu.memory_space<hbm>> -> memref<65528xf32, #tpu.memory_space<hbm>>
    %dma_start3A_20 = tpu.memref_slice %arg2[%add3A_18] : memref<16777216xf32, #tpu.memory_space<hbm>> -> memref<65528xf32, #tpu.memory_space<hbm>>
    tpu.enqueue_dma source(%dma_start3A_20 : memref<65528xf32, #tpu.memory_space<hbm>>) target(%arg4 : memref<65528xf32, #tpu.memory_space<vmem>>) target_semaphore(%arg6 : memref<!tpu.dma_semaphore, #tpu.memory_space<semaphore_mem>>)
    %dma_wait3A_21 = tpu.memref_slice %arg2[%add3A_7] : memref<16777216xf32, #tpu.memory_space<hbm>> -> memref<65528xf32, #tpu.memory_space<hbm>>
    %dma_wait3A_22 = tpu.memref_slice %arg2[%add3A_7] : memref<16777216xf32, #tpu.memory_space<hbm>> -> memref<65528xf32, #tpu.memory_space<hbm>>
    tpu.wait_dma2 semaphore(%arg7 : memref<!tpu.dma_semaphore, #tpu.memory_space<semaphore_mem>>) src(%dma_wait3A_22 : memref<65528xf32, #tpu.memory_space<hbm>>) dst(%arg5 : memref<65528xf32, #tpu.memory_space<vmem>>)
    %add3A_23 = arith.constant 65528 : i32
    %add3A_24 = arith.addi %mul3A_2, %add3A_23 : i32
    %dma_start3A_25 = tpu.memref_slice %arg3[%add3A_24] : memref<33554432xf32, #tpu.memory_space<hbm>> -> memref<65528xf32, #tpu.memory_space<hbm>>
    %dma_start3A_26 = tpu.memref_slice %arg3[%add3A_24] : memref<33554432xf32, #tpu.memory_space<hbm>> -> memref<65528xf32, #tpu.memory_space<hbm>>
    tpu.enqueue_dma source(%arg5 : memref<65528xf32, #tpu.memory_space<vmem>>) target(%dma_start3A_26 : memref<65528xf32, #tpu.memory_space<hbm>>) target_semaphore(%arg9 : memref<!tpu.dma_semaphore, #tpu.memory_space<semaphore_mem>>)
    %dma_wait3A_27 = tpu.memref_slice %arg3[%add3A_24] : memref<33554432xf32, #tpu.memory_space<hbm>> -> memref<65528xf32, #tpu.memory_space<hbm>>
    %dma_wait3A_28 = tpu.memref_slice %arg3[%add3A_24] : memref<33554432xf32, #tpu.memory_space<hbm>> -> memref<65528xf32, #tpu.memory_space<hbm>>
    tpu.wait_dma2 semaphore(%arg9 : memref<!tpu.dma_semaphore, #tpu.memory_space<semaphore_mem>>) src(%arg5 : memref<65528xf32, #tpu.memory_space<vmem>>) dst(%dma_wait3A_28 : memref<65528xf32, #tpu.memory_space<hbm>>)
    %add3A_29 = arith.constant 196584 : i32
    %add3A_30 = arith.addi %mul3A_2, %add3A_29 : i32
    %dma_start3A_31 = tpu.memref_slice %arg2[%add3A_30] : memref<16777216xf32, #tpu.memory_space<hbm>> -> memref<65528xf32, #tpu.memory_space<hbm>>
    %dma_start3A_32 = tpu.memref_slice %arg2[%add3A_30] : memref<16777216xf32, #tpu.memory_space<hbm>> -> memref<65528xf32, #tpu.memory_space<hbm>>
    tpu.enqueue_dma source(%dma_start3A_32 : memref<65528xf32, #tpu.memory_space<hbm>>) target(%arg5 : memref<65528xf32, #tpu.memory_space<vmem>>) target_semaphore(%arg7 : memref<!tpu.dma_semaphore, #tpu.memory_space<semaphore_mem>>)
    %dma_wait3A_33 = tpu.memref_slice %arg2[%add3A_18] : memref<16777216xf32, #tpu.memory_space<hbm>> -> memref<65528xf32, #tpu.memory_space<hbm>>
    %dma_wait3A_34 = tpu.memref_slice %arg2[%add3A_18] : memref<16777216xf32, #tpu.memory_space<hbm>> -> memref<65528xf32, #tpu.memory_space<hbm>>
    tpu.wait_dma2 semaphore(%arg6 : memref<!tpu.dma_semaphore, #tpu.memory_space<semaphore_mem>>) src(%dma_wait3A_34 : memref<65528xf32, #tpu.memory_space<hbm>>) dst(%arg4 : memref<65528xf32, #tpu.memory_space<vmem>>)
    %add3A_35 = arith.constant 131056 : i32
    %add3A_36 = arith.addi %mul3A_2, %add3A_35 : i32
    %dma_start3A_37 = tpu.memref_slice %arg3[%add3A_36] : memref<33554432xf32, #tpu.memory_space<hbm>> -> memref<65528xf32, #tpu.memory_space<hbm>>
    %dma_start3A_38 = tpu.memref_slice %arg3[%add3A_36] : memref<33554432xf32, #tpu.memory_space<hbm>> -> memref<65528xf32, #tpu.memory_space<hbm>>
    tpu.enqueue_dma source(%arg4 : memref<65528xf32, #tpu.memory_space<vmem>>) target(%dma_start3A_38 : memref<65528xf32, #tpu.memory_space<hbm>>) target_semaphore(%arg8 : memref<!tpu.dma_semaphore, #tpu.memory_space<semaphore_mem>>)
    %dma_wait3A_39 = tpu.memref_slice %arg3[%add3A_36] : memref<33554432xf32, #tpu.memory_space<hbm>> -> memref<65528xf32, #tpu.memory_space<hbm>>
    %dma_wait3A_40 = tpu.memref_slice %arg3[%add3A_36] : memref<33554432xf32, #tpu.memory_space<hbm>> -> memref<65528xf32, #tpu.memory_space<hbm>>
    tpu.wait_dma2 semaphore(%arg8 : memref<!tpu.dma_semaphore, #tpu.memory_space<semaphore_mem>>) src(%arg4 : memref<65528xf32, #tpu.memory_space<vmem>>) dst(%dma_wait3A_40 : memref<65528xf32, #tpu.memory_space<hbm>>)
    %add3A_41 = arith.constant 262112 : i32
    %add3A_42 = arith.addi %mul3A_2, %add3A_41 : i32
    %dma_start3A_43 = tpu.memref_slice %arg2[%add3A_42] : memref<16777216xf32, #tpu.memory_space<hbm>> -> memref<65528xf32, #tpu.memory_space<hbm>>
    %dma_start3A_44 = tpu.memref_slice %arg2[%add3A_42] : memref<16777216xf32, #tpu.memory_space<hbm>> -> memref<65528xf32, #tpu.memory_space<hbm>>
    tpu.enqueue_dma source(%dma_start3A_44 : memref<65528xf32, #tpu.memory_space<hbm>>) target(%arg4 : memref<65528xf32, #tpu.memory_space<vmem>>) target_semaphore(%arg6 : memref<!tpu.dma_semaphore, #tpu.memory_space<semaphore_mem>>)
    %dma_wait3A_45 = tpu.memref_slice %arg2[%add3A_30] : memref<16777216xf32, #tpu.memory_space<hbm>> -> memref<65528xf32, #tpu.memory_space<hbm>>
    %dma_wait3A_46 = tpu.memref_slice %arg2[%add3A_30] : memref<16777216xf32, #tpu.memory_space<hbm>> -> memref<65528xf32, #tpu.memory_space<hbm>>
    tpu.wait_dma2 semaphore(%arg7 : memref<!tpu.dma_semaphore, #tpu.memory_space<semaphore_mem>>) src(%dma_wait3A_46 : memref<65528xf32, #tpu.memory_space<hbm>>) dst(%arg5 : memref<65528xf32, #tpu.memory_space<vmem>>)
    %add3A_47 = arith.constant 196584 : i32
    %add3A_48 = arith.addi %mul3A_2, %add3A_47 : i32
    %dma_start3A_49 = tpu.memref_slice %arg3[%add3A_48] : memref<33554432xf32, #tpu.memory_space<hbm>> -> memref<65528xf32, #tpu.memory_space<hbm>>
    %dma_start3A_50 = tpu.memref_slice %arg3[%add3A_48] : memref<33554432xf32, #tpu.memory_space<hbm>> -> memref<65528xf32, #tpu.memory_space<hbm>>
    tpu.enqueue_dma source(%arg5 : memref<65528xf32, #tpu.memory_space<vmem>>) target(%dma_start3A_50 : memref<65528xf32, #tpu.memory_space<hbm>>) target_semaphore(%arg9 : memref<!tpu.dma_semaphore, #tpu.memory_space<semaphore_mem>>)
    %dma_wait3A_51 = tpu.memref_slice %arg3[%add3A_48] : memref<33554432xf32, #tpu.memory_space<hbm>> -> memref<65528xf32, #tpu.memory_space<hbm>>
    %dma_wait3A_52 = tpu.memref_slice %arg3[%add3A_48] : memref<33554432xf32, #tpu.memory_space<hbm>> -> memref<65528xf32, #tpu.memory_space<hbm>>
    tpu.wait_dma2 semaphore(%arg9 : memref<!tpu.dma_semaphore, #tpu.memory_space<semaphore_mem>>) src(%arg5 : memref<65528xf32, #tpu.memory_space<vmem>>) dst(%dma_wait3A_52 : memref<65528xf32, #tpu.memory_space<hbm>>)
    %add3A_53 = arith.constant 327640 : i32
    %add3A_54 = arith.addi %mul3A_2, %add3A_53 : i32
    %dma_start3A_55 = tpu.memref_slice %arg2[%add3A_54] : memref<16777216xf32, #tpu.memory_space<hbm>> -> memref<65528xf32, #tpu.memory_space<hbm>>
    %dma_start3A_56 = tpu.memref_slice %arg2[%add3A_54] : memref<16777216xf32, #tpu.memory_space<hbm>> -> memref<65528xf32, #tpu.memory_space<hbm>>
    tpu.enqueue_dma source(%dma_start3A_56 : memref<65528xf32, #tpu.memory_space<hbm>>) target(%arg5 : memref<65528xf32, #tpu.memory_space<vmem>>) target_semaphore(%arg7 : memref<!tpu.dma_semaphore, #tpu.memory_space<semaphore_mem>>)
    %dma_wait3A_57 = tpu.memref_slice %arg2[%add3A_42] : memref<16777216xf32, #tpu.memory_space<hbm>> -> memref<65528xf32, #tpu.memory_space<hbm>>
    %dma_wait3A_58 = tpu.memref_slice %arg2[%add3A_42] : memref<16777216xf32, #tpu.memory_space<hbm>> -> memref<65528xf32, #tpu.memory_space<hbm>>
    tpu.wait_dma2 semaphore(%arg6 : memref<!tpu.dma_semaphore, #tpu.memory_space<semaphore_mem>>) src(%dma_wait3A_58 : memref<65528xf32, #tpu.memory_space<hbm>>) dst(%arg4 : memref<65528xf32, #tpu.memory_space<vmem>>)
    %add3A_59 = arith.constant 262112 : i32
    %add3A_60 = arith.addi %mul3A_2, %add3A_59 : i32
    %dma_start3A_61 = tpu.memref_slice %arg3[%add3A_60] : memref<33554432xf32, #tpu.memory_space<hbm>> -> memref<65528xf32, #tpu.memory_space<hbm>>
    %dma_start3A_62 = tpu.memref_slice %arg3[%add3A_60] : memref<33554432xf32, #tpu.memory_space<hbm>> -> memref<65528xf32, #tpu.memory_space<hbm>>
    tpu.enqueue_dma source(%arg4 : memref<65528xf32, #tpu.memory_space<vmem>>) target(%dma_start3A_62 : memref<65528xf32, #tpu.memory_space<hbm>>) target_semaphore(%arg8 : memref<!tpu.dma_semaphore, #tpu.memory_space<semaphore_mem>>)
    %dma_wait3A_63 = tpu.memref_slice %arg3[%add3A_60] : memref<33554432xf32, #tpu.memory_space<hbm>> -> memref<65528xf32, #tpu.memory_space<hbm>>
    %dma_wait3A_64 = tpu.memref_slice %arg3[%add3A_60] : memref<33554432xf32, #tpu.memory_space<hbm>> -> memref<65528xf32, #tpu.memory_space<hbm>>
    tpu.wait_dma2 semaphore(%arg8 : memref<!tpu.dma_semaphore, #tpu.memory_space<semaphore_mem>>) src(%arg4 : memref<65528xf32, #tpu.memory_space<vmem>>) dst(%dma_wait3A_64 : memref<65528xf32, #tpu.memory_space<hbm>>)
    %add3A_65 = arith.constant 393168 : i32
    %add3A_66 = arith.addi %mul3A_2, %add3A_65 : i32
    %dma_start3A_67 = tpu.memref_slice %arg2[%add3A_66] : memref<16777216xf32, #tpu.memory_space<hbm>> -> memref<65528xf32, #tpu.memory_space<hbm>>
    %dma_start3A_68 = tpu.memref_slice %arg2[%add3A_66] : memref<16777216xf32, #tpu.memory_space<hbm>> -> memref<65528xf32, #tpu.memory_space<hbm>>
    tpu.enqueue_dma source(%dma_start3A_68 : memref<65528xf32, #tpu.memory_space<hbm>>) target(%arg4 : memref<65528xf32, #tpu.memory_space<vmem>>) target_semaphore(%arg6 : memref<!tpu.dma_semaphore, #tpu.memory_space<semaphore_mem>>)
    %dma_wait3A_69 = tpu.memref_slice %arg2[%add3A_54] : memref<16777216xf32, #tpu.memory_space<hbm>> -> memref<65528xf32, #tpu.memory_space<hbm>>
    %dma_wait3A_70 = tpu.memref_slice %arg2[%add3A_54] : memref<16777216xf32, #tpu.memory_space<hbm>> -> memref<65528xf32, #tpu.memory_space<hbm>>
    tpu.wait_dma2 semaphore(%arg7 : memref<!tpu.dma_semaphore, #tpu.memory_space<semaphore_mem>>) src(%dma_wait3A_70 : memref<65528xf32, #tpu.memory_space<hbm>>) dst(%arg5 : memref<65528xf32, #tpu.memory_space<vmem>>)
    %add3A_71 = arith.constant 327640 : i32
    %add3A_72 = arith.addi %mul3A_2, %add3A_71 : i32
    %dma_start3A_73 = tpu.memref_slice %arg3[%add3A_72] : memref<33554432xf32, #tpu.memory_space<hbm>> -> memref<65528xf32, #tpu.memory_space<hbm>>
    %dma_start3A_74 = tpu.memref_slice %arg3[%add3A_72] : memref<33554432xf32, #tpu.memory_space<hbm>> -> memref<65528xf32, #tpu.memory_space<hbm>>
    tpu.enqueue_dma source(%arg5 : memref<65528xf32, #tpu.memory_space<vmem>>) target(%dma_start3A_74 : memref<65528xf32, #tpu.memory_space<hbm>>) target_semaphore(%arg9 : memref<!tpu.dma_semaphore, #tpu.memory_space<semaphore_mem>>)
    %dma_wait3A_75 = tpu.memref_slice %arg3[%add3A_72] : memref<33554432xf32, #tpu.memory_space<hbm>> -> memref<65528xf32, #tpu.memory_space<hbm>>
    %dma_wait3A_76 = tpu.memref_slice %arg3[%add3A_72] : memref<33554432xf32, #tpu.memory_space<hbm>> -> memref<65528xf32, #tpu.memory_space<hbm>>
    tpu.wait_dma2 semaphore(%arg9 : memref<!tpu.dma_semaphore, #tpu.memory_space<semaphore_mem>>) src(%arg5 : memref<65528xf32, #tpu.memory_space<vmem>>) dst(%dma_wait3A_76 : memref<65528xf32, #tpu.memory_space<hbm>>)
    %add3A_77 = arith.constant 458696 : i32
    %add3A_78 = arith.addi %mul3A_2, %add3A_77 : i32
    %dma_start3A_79 = tpu.memref_slice %arg2[%add3A_78] : memref<16777216xf32, #tpu.memory_space<hbm>> -> memref<65528xf32, #tpu.memory_space<hbm>>
    %dma_start3A_80 = tpu.memref_slice %arg2[%add3A_78] : memref<16777216xf32, #tpu.memory_space<hbm>> -> memref<65528xf32, #tpu.memory_space<hbm>>
    tpu.enqueue_dma source(%dma_start3A_80 : memref<65528xf32, #tpu.memory_space<hbm>>) target(%arg5 : memref<65528xf32, #tpu.memory_space<vmem>>) target_semaphore(%arg7 : memref<!tpu.dma_semaphore, #tpu.memory_space<semaphore_mem>>)
    %dma_wait3A_81 = tpu.memref_slice %arg2[%add3A_66] : memref<16777216xf32, #tpu.memory_space<hbm>> -> memref<65528xf32, #tpu.memory_space<hbm>>
    %dma_wait3A_82 = tpu.memref_slice %arg2[%add3A_66] : memref<16777216xf32, #tpu.memory_space<hbm>> -> memref<65528xf32, #tpu.memory_space<hbm>>
    tpu.wait_dma2 semaphore(%arg6 : memref<!tpu.dma_semaphore, #tpu.memory_space<semaphore_mem>>) src(%dma_wait3A_82 : memref<65528xf32, #tpu.memory_space<hbm>>) dst(%arg4 : memref<65528xf32, #tpu.memory_space<vmem>>)
    %add3A_83 = arith.constant 393168 : i32
    %add3A_84 = arith.addi %mul3A_2, %add3A_83 : i32
    %dma_start3A_85 = tpu.memref_slice %arg3[%add3A_84] : memref<33554432xf32, #tpu.memory_space<hbm>> -> memref<65528xf32, #tpu.memory_space<hbm>>
    %dma_start3A_86 = tpu.memref_slice %arg3[%add3A_84] : memref<33554432xf32, #tpu.memory_space<hbm>> -> memref<65528xf32, #tpu.memory_space<hbm>>
    tpu.enqueue_dma source(%arg4 : memref<65528xf32, #tpu.memory_space<vmem>>) target(%dma_start3A_86 : memref<65528xf32, #tpu.memory_space<hbm>>) target_semaphore(%arg8 : memref<!tpu.dma_semaphore, #tpu.memory_space<semaphore_mem>>)
    %dma_wait3A_87 = tpu.memref_slice %arg3[%add3A_84] : memref<33554432xf32, #tpu.memory_space<hbm>> -> memref<65528xf32, #tpu.memory_space<hbm>>
    %dma_wait3A_88 = tpu.memref_slice %arg3[%add3A_84] : memref<33554432xf32, #tpu.memory_space<hbm>> -> memref<65528xf32, #tpu.memory_space<hbm>>
    tpu.wait_dma2 semaphore(%arg8 : memref<!tpu.dma_semaphore, #tpu.memory_space<semaphore_mem>>) src(%arg4 : memref<65528xf32, #tpu.memory_space<vmem>>) dst(%dma_wait3A_88 : memref<65528xf32, #tpu.memory_space<hbm>>)
    %add3A_89 = arith.constant 524224 : i32
    %add3A_90 = arith.addi %mul3A_2, %add3A_89 : i32
    %dma_start3A_91 = arith.constant 0 : i32
    %dma_start3A_92 = tpu.memref_slice %arg4[%dma_start3A_91] : memref<65528xf32, #tpu.memory_space<vmem>> -> memref<64xf32, #tpu.memory_space<vmem>>
    %dma_start3A_93 = tpu.memref_slice %arg2[%add3A_90] : memref<16777216xf32, #tpu.memory_space<hbm>> -> memref<64xf32, #tpu.memory_space<hbm>>
    %dma_start3A_94 = arith.constant 0 : i32
    %dma_start3A_95 = tpu.memref_slice %arg4[%dma_start3A_94] : memref<65528xf32, #tpu.memory_space<vmem>> -> memref<64xf32, #tpu.memory_space<vmem>>
    %dma_start3A_96 = tpu.memref_slice %arg2[%add3A_90] : memref<16777216xf32, #tpu.memory_space<hbm>> -> memref<64xf32, #tpu.memory_space<hbm>>
    tpu.enqueue_dma source(%dma_start3A_96 : memref<64xf32, #tpu.memory_space<hbm>>) target(%dma_start3A_95 : memref<64xf32, #tpu.memory_space<vmem>>) target_semaphore(%arg6 : memref<!tpu.dma_semaphore, #tpu.memory_space<semaphore_mem>>)
    %dma_wait3A_97 = tpu.memref_slice %arg2[%add3A_78] : memref<16777216xf32, #tpu.memory_space<hbm>> -> memref<65528xf32, #tpu.memory_space<hbm>>
    %dma_wait3A_98 = tpu.memref_slice %arg2[%add3A_78] : memref<16777216xf32, #tpu.memory_space<hbm>> -> memref<65528xf32, #tpu.memory_space<hbm>>
    tpu.wait_dma2 semaphore(%arg7 : memref<!tpu.dma_semaphore, #tpu.memory_space<semaphore_mem>>) src(%dma_wait3A_98 : memref<65528xf32, #tpu.memory_space<hbm>>) dst(%arg5 : memref<65528xf32, #tpu.memory_space<vmem>>)
    %add3A_99 = arith.constant 458696 : i32
    %add3A_100 = arith.addi %mul3A_2, %add3A_99 : i32
    %dma_start3A_101 = tpu.memref_slice %arg3[%add3A_100] : memref<33554432xf32, #tpu.memory_space<hbm>> -> memref<65528xf32, #tpu.memory_space<hbm>>
    %dma_start3A_102 = tpu.memref_slice %arg3[%add3A_100] : memref<33554432xf32, #tpu.memory_space<hbm>> -> memref<65528xf32, #tpu.memory_space<hbm>>
    tpu.enqueue_dma source(%arg5 : memref<65528xf32, #tpu.memory_space<vmem>>) target(%dma_start3A_102 : memref<65528xf32, #tpu.memory_space<hbm>>) target_semaphore(%arg9 : memref<!tpu.dma_semaphore, #tpu.memory_space<semaphore_mem>>)
    %dma_wait3A_103 = arith.constant 0 : i32
    %dma_wait3A_104 = tpu.memref_slice %arg4[%dma_wait3A_103] : memref<65528xf32, #tpu.memory_space<vmem>> -> memref<64xf32, #tpu.memory_space<vmem>>
    %dma_wait3A_105 = tpu.memref_slice %arg2[%add3A_90] : memref<16777216xf32, #tpu.memory_space<hbm>> -> memref<64xf32, #tpu.memory_space<hbm>>
    %dma_wait3A_106 = arith.constant 0 : i32
    %dma_wait3A_107 = tpu.memref_slice %arg4[%dma_wait3A_106] : memref<65528xf32, #tpu.memory_space<vmem>> -> memref<64xf32, #tpu.memory_space<vmem>>
    %dma_wait3A_108 = tpu.memref_slice %arg2[%add3A_90] : memref<16777216xf32, #tpu.memory_space<hbm>> -> memref<64xf32, #tpu.memory_space<hbm>>
    tpu.wait_dma2 semaphore(%arg6 : memref<!tpu.dma_semaphore, #tpu.memory_space<semaphore_mem>>) src(%dma_wait3A_108 : memref<64xf32, #tpu.memory_space<hbm>>) dst(%dma_wait3A_107 : memref<64xf32, #tpu.memory_space<vmem>>)
    %add3A_109 = arith.constant 524224 : i32
    %add3A_110 = arith.addi %mul3A_2, %add3A_109 : i32
    %dma_start3A_111 = arith.constant 0 : i32
    %dma_start3A_112 = tpu.memref_slice %arg4[%dma_start3A_111] : memref<65528xf32, #tpu.memory_space<vmem>> -> memref<64xf32, #tpu.memory_space<vmem>>
    %dma_start3A_113 = tpu.memref_slice %arg3[%add3A_110] : memref<33554432xf32, #tpu.memory_space<hbm>> -> memref<64xf32, #tpu.memory_space<hbm>>
    %dma_start3A_114 = tpu.memref_slice %arg3[%add3A_110] : memref<33554432xf32, #tpu.memory_space<hbm>> -> memref<64xf32, #tpu.memory_space<hbm>>
    %dma_start3A_115 = arith.constant 0 : i32
    %dma_start3A_116 = tpu.memref_slice %arg4[%dma_start3A_115] : memref<65528xf32, #tpu.memory_space<vmem>> -> memref<64xf32, #tpu.memory_space<vmem>>
    tpu.enqueue_dma source(%dma_start3A_116 : memref<64xf32, #tpu.memory_space<vmem>>) target(%dma_start3A_114 : memref<64xf32, #tpu.memory_space<hbm>>) target_semaphore(%arg8 : memref<!tpu.dma_semaphore, #tpu.memory_space<semaphore_mem>>)
    %dma_wait3A_117 = tpu.memref_slice %arg3[%add3A_100] : memref<33554432xf32, #tpu.memory_space<hbm>> -> memref<65528xf32, #tpu.memory_space<hbm>>
    %dma_wait3A_118 = tpu.memref_slice %arg3[%add3A_100] : memref<33554432xf32, #tpu.memory_space<hbm>> -> memref<65528xf32, #tpu.memory_space<hbm>>
    tpu.wait_dma2 semaphore(%arg9 : memref<!tpu.dma_semaphore, #tpu.memory_space<semaphore_mem>>) src(%arg5 : memref<65528xf32, #tpu.memory_space<vmem>>) dst(%dma_wait3A_118 : memref<65528xf32, #tpu.memory_space<hbm>>)
    %dma_wait3A_119 = arith.constant 0 : i32
    %dma_wait3A_120 = tpu.memref_slice %arg4[%dma_wait3A_119] : memref<65528xf32, #tpu.memory_space<vmem>> -> memref<64xf32, #tpu.memory_space<vmem>>
    %dma_wait3A_121 = tpu.memref_slice %arg3[%add3A_110] : memref<33554432xf32, #tpu.memory_space<hbm>> -> memref<64xf32, #tpu.memory_space<hbm>>
    %dma_wait3A_122 = tpu.memref_slice %arg3[%add3A_110] : memref<33554432xf32, #tpu.memory_space<hbm>> -> memref<64xf32, #tpu.memory_space<hbm>>
    %dma_wait3A_123 = arith.constant 0 : i32
    %dma_wait3A_124 = tpu.memref_slice %arg4[%dma_wait3A_123] : memref<65528xf32, #tpu.memory_space<vmem>> -> memref<64xf32, #tpu.memory_space<vmem>>
    tpu.wait_dma2 semaphore(%arg8 : memref<!tpu.dma_semaphore, #tpu.memory_space<semaphore_mem>>) src(%dma_wait3A_124 : memref<64xf32, #tpu.memory_space<vmem>>) dst(%dma_wait3A_122 : memref<64xf32, #tpu.memory_space<hbm>>)
    return
  }
}

module attributes {stable_mosaic.version = 14 : i64} {
  func.func @_zero_upper_body(%arg0: i32, %arg1: memref<33554432xf32, #tpu.memory_space<any>>, %arg2: memref<1048576xf32, #tpu.memory_space<vmem>>) attributes {dimension_semantics = [#tpu.dimension_semantics<arbitrary>], iteration_bounds = array<i64: 16>, scalar_prefetch = 0 : i64, scratch_operands = 0 : i64, tpu.core_type = #tpu.core_type<tc>, window_params = [{}, {transform_indices = @transform_1, window_bounds = array<i64: 1048576>}]} {
    %broadcast_in_dim3A = arith.constant 0.000000e+00 : f32
    %broadcast_in_dim3A_0 = vector.broadcast %broadcast_in_dim3A : f32 to vector<1048576xf32>
    %swap3A = arith.constant 0 : index
    %swap3A_1 = vector.load %arg2[%swap3A] : memref<1048576xf32, #tpu.memory_space<vmem>>, vector<1048576xf32>
    tpu.vector_store %arg2[%swap3A], %broadcast_in_dim3A_0 {strides = array<i32>} : memref<1048576xf32, #tpu.memory_space<vmem>>, vector<1048576xf32>,
    return
  }
  func.func @transform_1(%arg0: i32) -> i32 {
    %add3A = arith.constant 16 : i32
    %add3A_0 = arith.addi %add3A, %arg0 : i32
    %c0_i32 = arith.constant 0 : i32
    return %add3A_0 : i32
  }
}

</mosaic_0001>

<sc_bundles>
// kernel: kernel.4.cloned.1.call-start
scs
__scs_entry_jumppad:
0x0: {  	(pc) =	sbr.rel $0x88, $3  }
0x1: {  	(tag) =	ssettag $0x0;
	lr =	simm.s32 $0x1  }
0x2: {  	[smem:$0x3FA0] =	sst lr;
	_ =	strace $0xD0000000  }
0x3: {  	_ = 	snop  }
0x4: {  	_ = 	snop  }
0x5: {  	_ = 	snop  }
0x6: {  	_ = 	snop  }
0x7: {  	_ = 	snop  }
__scs_overlays_trampoline_lowered:
0x8: {  	[smem:$0x3FAF] =	sst s0  }
0x9: {  	[smem:$0x3FB0] =	sst s1  }
0xa: {  	[smem:$0x3FB1] =	sst s2  }
0xb: {  	[smem:$0x3FB2] =	sst s3  }
0xc: {  	[smem:$0x3FB3] =	sst s4  }
0xd: {  	[smem:$0x3FB4] =	sst s5  }
0xe: {  	[smem:$0x3FB5] =	sst s6  }
0xf: {  	[smem:$0x3FB6] =	sst s7  }
0x10: {  	[smem:$0x3FB7] =	sst s8  }
0x11: {  	[smem:$0x3FB8] =	sst s9;
	s0 =	simm.s32 @!p0 $0x0  }
0x12: {  	s1 =	sld [smem:$0x3F9E];
	s0 =	simm.s32 @p0 $0x1  }
0x13: {  	[smem:$0x3FB9] =	sst s0;
	s0 =	simm.s32 @!p1 $0x0  }
0x14: {  	s2 =	sld [smem:$0x3F9D];
	s0 =	simm.s32 @p1 $0x1  }
0x15: {  	[smem:$0x3FBA] =	sst s0;
	s0 =	simm.s32 @!p2 $0x0  }
0x16: {  	s3 =	sld [smem:$0x3FDB];
	s0 =	simm.s32 @p2 $0x1  }
0x17: {  	s4 =	simm.s32 $0x1BF5;
	[smem:$0x3FBC] =	sst s0  }
0x18: {  	s0 =	sld [smem:$0x3F9F];
	_ =	swait.ge [sflag:s4], $0x0  }
0x19: {  	s7 =	sld [smem:$0x3FA0]  }
0x1a: {  	s8 =	sadd.s32 $0xFFFFE003, lr  }
0x1b: {  	s9 =	sadd.s32 $0xFFFFFEF7, lr;
	s5 =	simm.s32 $0xFFFFFFFF;
	p2 =	slt.u32 s8, $0xFFFFF086  }
0x1c: {  	p1 =	slt.u32 s9, $0xF7A;
	s5 =	simm.s32 @!p2 $0x0  }
0x1d: {  	s5 =	simm.s32 @p1 $0x1;
	p0 =	seq.s32 s7, s2  }
0x1e: {  	s7 =	smul.u32 @!p0 $0xF7A, s2;
	p2 =	seq.s32 @!p0 s5, $0x0  }
0x1f: {  	s9 =	smul.u32 $0xF7A, s1;
	s8 =	simm.s32 @!p0 $0x1BF5;
	p2 =	por !p2, p0  }
0x20: {  	[sflag:s8] =	ssyncset.s32 @!p0 $0xFFFFF086;
	s6 =	sadd.s32 @!p0 s3, s7;
	s7 =	simm.s32 @!p0 $0x108  }
0x21: {  	s3 =	sadd.s32 s3, s9;
	s6 =	sadd.s32 @!p0 $0x88, s6;
	s7 =	simm.s32 @p2 $0x1082  }
0x22: {  	[simem:s7], [sflag:s8] =	dma.local @!p0 [hbm:s6], $0xF7A  }
0x23: {  	s9 =	sor.u32 $0xD0000000, s2;
	s6 =	simm.s32 $0x108;
	_ =	swait.ge @!p0 [sflag:s8], $0x0  }
0x24: {  	s3 =	sadd.s32 $0x88, s3;
	s6 =	simm.s32 @!p1 $0x1082;
	[sflag:s4] =	ssyncset.s32 $0xFFFFF086  }
0x25: {  	[simem:s6], [sflag:s4] =	dma.local [hbm:s3], $0xF7A  }
0x26: {  	[smem:$0x3FA0] =	sst s1;
	(tag) =	ssettag s2;
	_ =	strace s9  }
0x27: {  	s1 =	sld [smem:$0x3FB0]  }
0x28: {  	s2 =	sld [smem:$0x3FB1]  }
0x29: {  	s4 =	sld [smem:$0x3FB3]  }
0x2a: {  	p0 =	seq.s32 s5, $0x0;
	s5 =	sld [smem:$0x3FB4]  }
0x2b: {  	s6 =	sld [smem:$0x3FB5]  }
0x2c: {  	s7 =	sld [smem:$0x3FB6]  }
0x2d: {  	s3 =	simm.s32 $0x108;
	s8 =	sld [smem:$0x3FB7]  }
0x2e: {  	s3 =	simm.s32 @!p0 $0x1082;
	s9 =	sld [smem:$0x3FB8]  }
0x2f: {  	lr =	sadd.s32 s0, s3;
	s0 =	sld [smem:$0x3FAF]  }
0x30: {  	s3 =	sld [smem:$0x3FB2]  }
0x31: {  	[smem:$0x3FBB] =	sst s10  }
0x32: {  	s10 =	sld [smem:$0x3FB9];
	_ =	sdelay $0x3  }
0x33: {  	p0 =	seq.s32 s10, $0x1;
	s10 =	sld [smem:$0x3FBB];
	_ =	sdelay $0x3  }
0x34: {  	[smem:$0x3FBB] =	sst s10  }
0x35: {  	s10 =	sld [smem:$0x3FBA];
	_ =	sdelay $0x3  }
0x36: {  	p1 =	seq.s32 s10, $0x1;
	s10 =	sld [smem:$0x3FBB];
	_ =	sdelay $0x3  }
0x37: {  	[smem:$0x3FBB] =	sst s10  }
0x38: {  	s10 =	sld [smem:$0x3FBC]  }
0x39: {  	_ = 	snop;
	(pc) =	sbr.ind lr, $3  }
0x3a: {  	_ = 	snop  }
0x3b: {  	_ = 	snop  }
0x3c: {  	p2 =	seq.s32 s10, $0x1;
	s10 =	sld [smem:$0x3FBB]  }
0x3d: {  	_ =	shalt  }
0x3e: {  	_ =	shalt  }
0x3f: {  	_ =	shalt  }
0x40: {  	_ =	shalt  }
0x41: {  	_ =	shalt  }
0x42: {  	_ =	shalt  }
0x43: {  	_ =	shalt  }
0x44: {  	_ =	shalt  }
0x45: {  	_ =	shalt  }
0x46: {  	_ =	shalt  }
0x47: {  	_ =	shalt  }
0x48: {  	_ =	shalt  }
0x49: {  	_ =	shalt  }
0x4a: {  	_ =	shalt  }
0x4b: {  	_ =	shalt  }
0x4c: {  	_ =	shalt  }
0x4d: {  	_ =	shalt  }
0x4e: {  	_ =	shalt  }
0x4f: {  	_ =	shalt  }
0x50: {  	_ =	shalt  }
0x51: {  	_ =	shalt  }
0x52: {  	_ =	shalt  }
0x53: {  	_ =	shalt  }
0x54: {  	_ =	shalt  }
0x55: {  	_ =	shalt  }
0x56: {  	_ =	shalt  }
0x57: {  	_ =	shalt  }
0x58: {  	_ =	shalt  }
0x59: {  	_ =	shalt  }
0x5a: {  	_ =	shalt  }
0x5b: {  	_ =	shalt  }
0x5c: {  	_ =	shalt  }
0x5d: {  	_ =	shalt  }
0x5e: {  	_ =	shalt  }
0x5f: {  	_ =	shalt  }
0x60: {  	_ =	shalt  }
0x61: {  	_ =	shalt  }
0x62: {  	_ =	shalt  }
0x63: {  	_ =	shalt  }
0x64: {  	_ =	shalt  }
0x65: {  	_ =	shalt  }
0x66: {  	_ =	shalt  }
0x67: {  	_ =	shalt  }
0x68: {  	_ =	shalt  }
0x69: {  	_ =	shalt  }
0x6a: {  	_ =	shalt  }
0x6b: {  	_ =	shalt  }
0x6c: {  	_ =	shalt  }
0x6d: {  	_ =	shalt  }
0x6e: {  	_ =	shalt  }
0x6f: {  	_ =	shalt  }
0x70: {  	_ =	shalt  }
0x71: {  	_ =	shalt  }
0x72: {  	_ =	shalt  }
0x73: {  	_ =	shalt  }
0x74: {  	_ =	shalt  }
0x75: {  	_ =	shalt  }
0x76: {  	_ =	shalt  }
0x77: {  	_ =	shalt  }
0x78: {  	_ =	shalt  }
0x79: {  	_ =	shalt  }
0x7a: {  	_ =	shalt  }
0x7b: {  	_ =	shalt  }
0x7c: {  	_ =	shalt  }
0x7d: {  	_ =	shalt  }
0x7e: {  	_ =	shalt  }
0x7f: {  	_ =	shalt  }
0x80: {  	_ =	shalt  }
0x81: {  	_ =	shalt  }
0x82: {  	_ =	shalt  }
0x83: {  	_ =	shalt  }
0x84: {  	_ =	shalt  }
0x85: {  	_ =	shalt  }
0x86: {  	_ =	shalt  }
0x87: {  	_ =	shalt  }
.Lfunc_end0:
.L_simem_size_0:
called_computation_lowered:
.L_overlay_start_0:
0x88: {  	s2 =	sld [smem:$0x3FD9]  }
0x89: {  	s3 =	sld [smem:$0x3FFE];
	_ =	sdelay $0x1  }
0x8a: {  	s1 =	srdreg.scid  }
0x8b: {  	s0 =	sand.u32 $0x1, s1  }
0x8c: {  	s18 =	sshll.u32 s0, $0xA;
	s2 =	sadd.s32 s3, s2  }
0x8d: {  	s2 =	sadd.s32 s2, s18  }
0x8e: {  	[smem:$0x3FC7] =	sst s2  }
0x8f: {  	_ = 	snop  }
0x90: {  	s2 =	sld [smem:$0x3FC9]  }
0x91: {  	s19 =	sld [smem:$0x3FD0];
	(tm) =	ssettm $0x1  }
0x92: {  	s4 =	sld [smem:$0x3FFB];
	_ =	sdelay $0x3  }
0x93: {  	_ =	strace s4  }
0x94: {  	s4 =	sld [smem:$0x3FFC];
	_ =	sdelay $0x3  }
0x95: {  	_ =	strace s4  }
0x96: {  	s4 =	sld [smem:$0x3FFD];
	_ =	sdelay $0x3  }
0x97: {  	_ =	strace s4  }
0x98: {  	_ =	strace $0x8FFFFFFF  }
0x99: {  	s20 =	sld [smem:$0x3FDB];
	_ =	sdelay $0x1  }
0x9a: {  	s5 =	simm.s32 $_scs_section_size  }
0x9b: {  	s6 =	simm.s32 $_size__tile_overlayer_lowered;
	s7 =	simm.s32 $_tile_overlayer_lowered  }
0x9c: {  	s23 =	simm.s32 $0x1BFF;
	s22 =	sshll.u32 s7, $0x1;
	s4 =	sadd.s32 s5, s20  }
0x9d: {  	s8 =	simm.s32 $0x0;
	s21 =	sshll.u32 s6, $0x1;
	s6 =	sadd.s32 s22, s4  }
0x9e: {  	[timem:s8], [sflag:s23] =	dma.local [hbm:s6], s21  }
0x9f: {  	_ =	swait.ge [sflag:s23], s21  }
0xa0: {  	s5 =	ssub.s32 $0x0, s21;
	[sflag:s23] =	ssyncset.done $0x0  }
0xa1: {  	[sflag:s23] =	ssyncadd.s32 s5;
	_ =	sdelay $0x1  }
0xa2: {  	s24 =	simm.s32 $0x1B8B  }
0xa3: {  	_ =	swait.ge [sflag:s24], $0x1  }
0xa4: {  	[sflag:s24] =	ssyncset.done $0x0  }
0xa5: {  	s25 =	simm.s32 $0x1B8E;
	[sflag:s24] =	ssyncadd.s32 $0xFFFFFFFF  }
0xa6: {  	s26 =	simm.s32 $execute0_lowered;
	[smem:$0x3FD2] =	sst s25  }
0xa7: {  	s5 =	sshll.u32 s26, $0x1;
	_ =	strace $0x80000046;
	[dreg:$0x1] =	wrdreg $0xFFFFFFFF  }
0xa8: {  	s28 =	simm.s32 $_size_execute0_lowered;
	s4 =	sadd.s32 s4, s5;
	[dreg:$0x0] =	wrdreg $0x0  }
0xa9: {  	s5 =	sshll.u32 s28, $0x1;
	[dreg:$0x2] =	wrdreg s4  }
0xaa: {  	[dreg:$0x3] =	wrdreg s5  }
0xab: {  	[dreg:$0x4] =	wrdreg $0xC0  }
0xac: {  	_ =	task [dreg:s8], $0x5FFFF  }
0xad: {  	[dreg:$0x1] =	wrdreg $0xFFFFFFFF  }
0xae: {  	[dreg:$0x0] =	wrdreg $0x60  }
0xaf: {  	[dreg:$0x2] =	wrdreg s2  }
0xb0: {  	[dreg:$0x3] =	wrdreg s19  }
0xb1: {  	[dreg:$0x4] =	wrdreg $0x9  }
0xb2: {  	_ =	task.clear_ibuf [dreg:s8], $0x5FFFF;
	_ =	strace $0x90000046  }
0xb3: {  	s29 =	simm.s32 $0x9;
	_ =	strace $0x80000048  }
0xb4: {  	_ =	swait.ge [sflag:s29], $0x1  }
0xb5: {  	[sflag:s29] =	ssyncadd.s32 $0xFFFFFFFF  }
0xb6: {  	_ =	strace $0x90000048  }
0xb7: {  	_ =	sfence  }
0xb8: {  	s30 =	sld [smem:$0x0];
	_ =	sdelay $0x2  }
0xb9: {  	s31 =	sshll.u32 s1, $0xD;
	s1 =	sshrl.u32 s1, $0x2  }
0xba: {  	s3 =	sand.u32 $0x4000, s31;
	s1 =	sadd.s32 s1, s30  }
0xbb: {  	s0 =	sor.u32 s3, s0;
	s1 =	sshll.u32 s1, $0x11  }
0xbc: {  	s0 =	sor.u32 s1, s0  }
0xbd: {  	s0 =	sadd.s32 $0x8F2B, s0  }
0xbe: {  	[sflag:s0] =	ssyncadd.remote.s32 $0x1  }
0xbf: {  	_ =	sfence.sel $0xFFFF  }
0xc0: {  	[dreg:$0x0] =	wrdreg $0xFFFFFFFF;
	(pc) =	sbr.abs _section_cstart, $3  }
0xc1: {  	[dreg:$0x1] =	wrdreg $0xFFFFFFFF  }
0xc2: {  	_ =	task.clear_ibuf [dreg:s8], $0x2FFFF;
	_ =	strace $0x9FFFFFFF  }
0xc3: {  	(tm) =	ssettm $0x7FFFFFFF  }
tec
execute0_lowered:
.L_overlay_start_1:
0x0: {  	(tag) =	ssettag $0x1  }
0x1: {  	s23 =	rddreg [dreg:$0x0]  }
0x2: {  	s25 =	rddreg [dreg:$0x1];
	s2 =	srdreg.scid  }
0x3: {  	s0 =	rddreg [dreg:$0x2];
	s1 =	stileid.u32;
	s26 =	sand.u32 $0x1, s2  }
0x4: {  	s2 =	simm.s32 $0x0;
	s3 =	sshll.u32 s1, $0x11;
	s4 =	sshll.u32 s26, $0x10  }
0x5: {  	[smem:$0x7FF] =	sst s2;
	s24 =	sor.u32 s4, s3  }
0x6: {  	_ =	strace $0x80000047;
	s3 =	sadd.s32 s23, s24;
	s11 =	sor.u32 $0x1FFF, s24  }
0x7: {  	[tilespmem:s2], [sflag:$0x1] =	stream.linear.gather [hbm4b:s3+s2], $0xFFF8, $0x38;
	v63 =	vld [tilespmem:$0x0]  }
0x8: {  	s5 =	simm.s32 $0x10000;
	s6 =	simm.s32 $0x1;
	s4 =	sadd.s32 s23, s11  }
0x9: {  	[tilespmem:s5], [sflag:$0x2] =	stream.linear.gather [hbm4b:s4+s2], $0xFFF8, $0x38;
	v63 =	vld [tilespmem:$0x0]  }
0xa: {  	_ =	swait.ge [sflag:s6], $0xFFF8  }
0xb: {  	[sflag:s6] =	ssyncset.done $0x0  }
0xc: {  	s7 =	simm.s32 $0x3;
	s8 =	sadd.s32 s25, s24;
	[sflag:s6] =	ssyncadd.s32 $0xFFFF0008  }
0xd: {  	[hbm4b:s8+s2] =	stream.linear.scatter [tilespmem:s2], [sflag:$0x3], $0xFFF8, $0x38;
	v63 =	vld [tilespmem:$0x0]  }
0xe: {  	_ =	swait.ge [sflag:s7], $0xFFF8  }
0xf: {  	s14 =	sor.u32 $0x3FFE, s24;
	[sflag:s7] =	ssyncset.done $0x0  }
0x10: {  	s10 =	simm.s32 $0x2;
	s9 =	sadd.s32 s23, s14;
	[sflag:s7] =	ssyncadd.s32 $0xFFFF0008  }
0x11: {  	[tilespmem:s2], [sflag:$0x1] =	stream.linear.gather [hbm4b:s9+s2], $0xFFF8, $0x38;
	v63 =	vld [tilespmem:$0x0]  }
0x12: {  	_ =	swait.ge [sflag:s10], $0xFFF8  }
0x13: {  	[sflag:s10] =	ssyncset.done $0x0  }
0x14: {  	s12 =	simm.s32 $0x4;
	s11 =	sadd.s32 s25, s11;
	[sflag:s10] =	ssyncadd.s32 $0xFFFF0008  }
0x15: {  	[hbm4b:s11+s2] =	stream.linear.scatter [tilespmem:s5], [sflag:$0x4], $0xFFF8, $0x38;
	v63 =	vld [tilespmem:$0x0]  }
0x16: {  	_ =	swait.ge [sflag:s12], $0xFFF8  }
0x17: {  	s16 =	sor.u32 $0x5FFD, s24;
	[sflag:s12] =	ssyncset.done $0x0  }
0x18: {  	s13 =	sadd.s32 s23, s16;
	[sflag:s12] =	ssyncadd.s32 $0xFFFF0008  }
0x19: {  	[tilespmem:s5], [sflag:$0x2] =	stream.linear.gather [hbm4b:s13+s2], $0xFFF8, $0x38;
	v63 =	vld [tilespmem:$0x0]  }
0x1a: {  	_ =	swait.ge [sflag:s6], $0xFFF8  }
0x1b: {  	[sflag:s6] =	ssyncset.done $0x0  }
0x1c: {  	s14 =	sadd.s32 s25, s14;
	[sflag:s6] =	ssyncadd.s32 $0xFFFF0008  }
0x1d: {  	[hbm4b:s14+s2] =	stream.linear.scatter [tilespmem:s2], [sflag:$0x3], $0xFFF8, $0x38;
	v63 =	vld [tilespmem:$0x0]  }
0x1e: {  	_ =	swait.ge [sflag:s7], $0xFFF8  }
0x1f: {  	s18 =	sor.u32 $0x7FFC, s24;
	[sflag:s7] =	ssyncset.done $0x0  }
0x20: {  	s15 =	sadd.s32 s23, s18;
	[sflag:s7] =	ssyncadd.s32 $0xFFFF0008  }
0x21: {  	[tilespmem:s2], [sflag:$0x1] =	stream.linear.gather [hbm4b:s15+s2], $0xFFF8, $0x38;
	v63 =	vld [tilespmem:$0x0]  }
0x22: {  	_ =	swait.ge [sflag:s10], $0xFFF8  }
0x23: {  	[sflag:s10] =	ssyncset.done $0x0  }
0x24: {  	s16 =	sadd.s32 s25, s16;
	[sflag:s10] =	ssyncadd.s32 $0xFFFF0008  }
0x25: {  	[hbm4b:s16+s2] =	stream.linear.scatter [tilespmem:s5], [sflag:$0x4], $0xFFF8, $0x38;
	v63 =	vld [tilespmem:$0x0]  }
0x26: {  	_ =	swait.ge [sflag:s12], $0xFFF8  }
0x27: {  	s20 =	sor.u32 $0x9FFB, s24;
	[sflag:s12] =	ssyncset.done $0x0  }
0x28: {  	s17 =	sadd.s32 s23, s20;
	[sflag:s12] =	ssyncadd.s32 $0xFFFF0008  }
0x29: {  	[tilespmem:s5], [sflag:$0x2] =	stream.linear.gather [hbm4b:s17+s2], $0xFFF8, $0x38;
	v63 =	vld [tilespmem:$0x0]  }
0x2a: {  	_ =	swait.ge [sflag:s6], $0xFFF8  }
0x2b: {  	[sflag:s6] =	ssyncset.done $0x0  }
0x2c: {  	s18 =	sadd.s32 s25, s18;
	[sflag:s6] =	ssyncadd.s32 $0xFFFF0008  }
0x2d: {  	[hbm4b:s18+s2] =	stream.linear.scatter [tilespmem:s2], [sflag:$0x3], $0xFFF8, $0x38;
	v63 =	vld [tilespmem:$0x0]  }
0x2e: {  	_ =	swait.ge [sflag:s7], $0xFFF8  }
0x2f: {  	s22 =	sor.u32 $0xBFFA, s24;
	[sflag:s7] =	ssyncset.done $0x0  }
0x30: {  	s19 =	sadd.s32 s23, s22;
	[sflag:s7] =	ssyncadd.s32 $0xFFFF0008  }
0x31: {  	[tilespmem:s2], [sflag:$0x1] =	stream.linear.gather [hbm4b:s19+s2], $0xFFF8, $0x38;
	v63 =	vld [tilespmem:$0x0]  }
0x32: {  	_ =	swait.ge [sflag:s10], $0xFFF8  }
0x33: {  	[sflag:s10] =	ssyncset.done $0x0  }
0x34: {  	s20 =	sadd.s32 s25, s20;
	[sflag:s10] =	ssyncadd.s32 $0xFFFF0008  }
0x35: {  	[hbm4b:s20+s2] =	stream.linear.scatter [tilespmem:s5], [sflag:$0x4], $0xFFF8, $0x38;
	v63 =	vld [tilespmem:$0x0]  }
0x36: {  	_ =	swait.ge [sflag:s12], $0xFFF8  }
0x37: {  	s28 =	sor.u32 $0xDFF9, s24;
	[sflag:s12] =	ssyncset.done $0x0  }
0x38: {  	s21 =	sadd.s32 s23, s28;
	[sflag:s12] =	ssyncadd.s32 $0xFFFF0008  }
0x39: {  	[tilespmem:s5], [sflag:$0x2] =	stream.linear.gather [hbm4b:s21+s2], $0xFFF8, $0x38;
	v63 =	vld [tilespmem:$0x0]  }
0x3a: {  	_ =	swait.ge [sflag:s6], $0xFFF8  }
0x3b: {  	[sflag:s6] =	ssyncset.done $0x0  }
0x3c: {  	s22 =	sadd.s32 s25, s22;
	[sflag:s6] =	ssyncadd.s32 $0xFFFF0008  }
0x3d: {  	[hbm4b:s22+s2] =	stream.linear.scatter [tilespmem:s2], [sflag:$0x3], $0xFFF8, $0x38;
	v63 =	vld [tilespmem:$0x0]  }
0x3e: {  	_ =	swait.ge [sflag:s7], $0xFFF8  }
0x3f: {  	s29 =	sor.u32 $0xFFF8, s24;
	[sflag:s7] =	ssyncset.done $0x0  }
0x40: {  	s23 =	sadd.s32 s23, s29;
	[sflag:s7] =	ssyncadd.s32 $0xFFFF0008  }
0x41: {  	[tilespmem:s2], [sflag:$0x1] =	stream.linear.gather [hbm4b:s23+s2], $0x40, $0x38;
	v63 =	vld [tilespmem:$0x0]  }
0x42: {  	_ =	swait.ge [sflag:s10], $0xFFF8  }
0x43: {  	s26 =	ssub.s32 $0x2, s26;
	[sflag:s10] =	ssyncset.done $0x0  }
0x44: {  	s31 =	sshrl.u32 s26, $0x1;
	s24 =	sadd.s32 s25, s28;
	[sflag:s10] =	ssyncadd.s32 $0xFFFF0008  }
0x45: {  	[hbm4b:s24+s2] =	stream.linear.scatter [tilespmem:s5], [sflag:$0x4], $0xFFF8, $0x38;
	v63 =	vld [tilespmem:$0x0]  }
0x46: {  	s26 =	ssub.s32 s26, s31;
	_ =	swait.ge [sflag:s6], $0x40  }
0x47: {  	s26 =	smax.u32 s26, $0x1;
	[sflag:s6] =	ssyncset.done $0x0  }
0x48: {  	s25 =	sadd.s32 s25, s29;
	p0 =	sne.s32 s26, $0x1;
	[sflag:s6] =	ssyncadd.s32 $0xFFFFFFC0  }
0x49: {  	[hbm4b:s25+s2] =	stream.linear.scatter [tilespmem:s2], [sflag:$0x3], $0x40, $0x38;
	v63 =	vld [tilespmem:$0x0]  }
.Ltmp0:
0x4a: {  	_ =	swait.ge [sflag:s12], $0xFFF8;
	(pc) =	sbr.rel @!p0 .LBB2_2-.Ltmp0, $4  }
0x4b: {  	[sflag:s12] =	ssyncset.done $0x0  }
0x4c: {  	[sflag:s12] =	ssyncadd.s32 $0xFFFF0008  }
0x4d: {  	_ =	swait.ge [sflag:s7], $0x40  }
0x4e: {  	s26 =	sadd.s32 $0xFFFFFFFF, s26;
	[sflag:s7] =	ssyncset.done $0x0  }
.LBB2_1:
0x4f: {  	p0 =	sne.s32 s26, $0x1;
	s26 =	sadd.s32 $0xFFFFFFFF, s26;
	[sflag:s7] =	ssyncadd.s32 $0xFFFFFFC0  }
0x50: {  	[tilespmem:s2], [sflag:$0x1] =	stream.linear.gather [hbm4b:s3+s2], $0xFFF8, $0x38;
	v63 =	vld [tilespmem:$0x0]  }
0x51: {  	_ = 	snop  }
0x52: {  	[tilespmem:s5], [sflag:$0x2] =	stream.linear.gather [hbm4b:s4+s2], $0xFFF8, $0x38;
	v63 =	vld [tilespmem:$0x0]  }
0x53: {  	_ =	swait.ge [sflag:s6], $0xFFF8  }
0x54: {  	[sflag:s6] =	ssyncset.done $0x0  }
0x55: {  	[sflag:s6] =	ssyncadd.s32 $0xFFFF0008  }
0x56: {  	[hbm4b:s8+s2] =	stream.linear.scatter [tilespmem:s2], [sflag:$0x3], $0xFFF8, $0x38;
	v63 =	vld [tilespmem:$0x0]  }
0x57: {  	_ =	swait.ge [sflag:s7], $0xFFF8  }
0x58: {  	[sflag:s7] =	ssyncset.done $0x0  }
0x59: {  	[sflag:s7] =	ssyncadd.s32 $0xFFFF0008  }
0x5a: {  	[tilespmem:s2], [sflag:$0x1] =	stream.linear.gather [hbm4b:s9+s2], $0xFFF8, $0x38;
	v63 =	vld [tilespmem:$0x0]  }
0x5b: {  	_ =	swait.ge [sflag:s10], $0xFFF8  }
0x5c: {  	[sflag:s10] =	ssyncset.done $0x0  }
0x5d: {  	[sflag:s10] =	ssyncadd.s32 $0xFFFF0008  }
0x5e: {  	[hbm4b:s11+s2] =	stream.linear.scatter [tilespmem:s5], [sflag:$0x4], $0xFFF8, $0x38;
	v63 =	vld [tilespmem:$0x0]  }
0x5f: {  	_ =	swait.ge [sflag:s12], $0xFFF8  }
0x60: {  	[sflag:s12] =	ssyncset.done $0x0  }
0x61: {  	[sflag:s12] =	ssyncadd.s32 $0xFFFF0008  }
0x62: {  	[tilespmem:s5], [sflag:$0x2] =	stream.linear.gather [hbm4b:s13+s2], $0xFFF8, $0x38;
	v63 =	vld [tilespmem:$0x0]  }
0x63: {  	_ =	swait.ge [sflag:s6], $0xFFF8  }
0x64: {  	[sflag:s6] =	ssyncset.done $0x0  }
0x65: {  	[sflag:s6] =	ssyncadd.s32 $0xFFFF0008  }
0x66: {  	[hbm4b:s14+s2] =	stream.linear.scatter [tilespmem:s2], [sflag:$0x3], $0xFFF8, $0x38;
	v63 =	vld [tilespmem:$0x0]  }
0x67: {  	_ =	swait.ge [sflag:s7], $0xFFF8  }
0x68: {  	[sflag:s7] =	ssyncset.done $0x0  }
0x69: {  	[sflag:s7] =	ssyncadd.s32 $0xFFFF0008  }
0x6a: {  	[tilespmem:s2], [sflag:$0x1] =	stream.linear.gather [hbm4b:s15+s2], $0xFFF8, $0x38;
	v63 =	vld [tilespmem:$0x0]  }
0x6b: {  	_ =	swait.ge [sflag:s10], $0xFFF8  }
0x6c: {  	[sflag:s10] =	ssyncset.done $0x0  }
0x6d: {  	[sflag:s10] =	ssyncadd.s32 $0xFFFF0008  }
0x6e: {  	[hbm4b:s16+s2] =	stream.linear.scatter [tilespmem:s5], [sflag:$0x4], $0xFFF8, $0x38;
	v63 =	vld [tilespmem:$0x0]  }
0x6f: {  	_ =	swait.ge [sflag:s12], $0xFFF8  }
0x70: {  	[sflag:s12] =	ssyncset.done $0x0  }
0x71: {  	[sflag:s12] =	ssyncadd.s32 $0xFFFF0008  }
0x72: {  	[tilespmem:s5], [sflag:$0x2] =	stream.linear.gather [hbm4b:s17+s2], $0xFFF8, $0x38;
	v63 =	vld [tilespmem:$0x0]  }
0x73: {  	_ =	swait.ge [sflag:s6], $0xFFF8  }
0x74: {  	[sflag:s6] =	ssyncset.done $0x0  }
0x75: {  	[sflag:s6] =	ssyncadd.s32 $0xFFFF0008  }
0x76: {  	[hbm4b:s18+s2] =	stream.linear.scatter [tilespmem:s2], [sflag:$0x3], $0xFFF8, $0x38;
	v63 =	vld [tilespmem:$0x0]  }
0x77: {  	_ =	swait.ge [sflag:s7], $0xFFF8  }
0x78: {  	[sflag:s7] =	ssyncset.done $0x0  }
0x79: {  	[sflag:s7] =	ssyncadd.s32 $0xFFFF0008  }
0x7a: {  	[tilespmem:s2], [sflag:$0x1] =	stream.linear.gather [hbm4b:s19+s2], $0xFFF8, $0x38;
	v63 =	vld [tilespmem:$0x0]  }
0x7b: {  	_ =	swait.ge [sflag:s10], $0xFFF8  }
0x7c: {  	[sflag:s10] =	ssyncset.done $0x0  }
0x7d: {  	[sflag:s10] =	ssyncadd.s32 $0xFFFF0008  }
0x7e: {  	[hbm4b:s20+s2] =	stream.linear.scatter [tilespmem:s5], [sflag:$0x4], $0xFFF8, $0x38;
	v63 =	vld [tilespmem:$0x0]  }
0x7f: {  	_ =	swait.ge [sflag:s12], $0xFFF8  }
0x80: {  	[sflag:s12] =	ssyncset.done $0x0  }
0x81: {  	[sflag:s12] =	ssyncadd.s32 $0xFFFF0008  }
0x82: {  	[tilespmem:s5], [sflag:$0x2] =	stream.linear.gather [hbm4b:s21+s2], $0xFFF8, $0x38;
	v63 =	vld [tilespmem:$0x0]  }
0x83: {  	_ =	swait.ge [sflag:s6], $0xFFF8  }
0x84: {  	[sflag:s6] =	ssyncset.done $0x0  }
0x85: {  	[sflag:s6] =	ssyncadd.s32 $0xFFFF0008  }
0x86: {  	[hbm4b:s22+s2] =	stream.linear.scatter [tilespmem:s2], [sflag:$0x3], $0xFFF8, $0x38;
	v63 =	vld [tilespmem:$0x0]  }
0x87: {  	_ =	swait.ge [sflag:s7], $0xFFF8  }
0x88: {  	[sflag:s7] =	ssyncset.done $0x0  }
0x89: {  	[sflag:s7] =	ssyncadd.s32 $0xFFFF0008  }
0x8a: {  	[tilespmem:s2], [sflag:$0x1] =	stream.linear.gather [hbm4b:s23+s2], $0x40, $0x38;
	v63 =	vld [tilespmem:$0x0]  }
0x8b: {  	_ =	swait.ge [sflag:s10], $0xFFF8  }
0x8c: {  	[sflag:s10] =	ssyncset.done $0x0  }
0x8d: {  	[sflag:s10] =	ssyncadd.s32 $0xFFFF0008  }
0x8e: {  	[hbm4b:s24+s2] =	stream.linear.scatter [tilespmem:s5], [sflag:$0x4], $0xFFF8, $0x38;
	v63 =	vld [tilespmem:$0x0]  }
0x8f: {  	_ =	swait.ge [sflag:s6], $0x40  }
0x90: {  	[sflag:s6] =	ssyncset.done $0x0  }
0x91: {  	[sflag:s6] =	ssyncadd.s32 $0xFFFFFFC0  }
0x92: {  	[hbm4b:s25+s2] =	stream.linear.scatter [tilespmem:s2], [sflag:$0x3], $0x40, $0x38;
	v63 =	vld [tilespmem:$0x0]  }
.Ltmp1:
0x93: {  	_ =	swait.ge [sflag:s12], $0xFFF8;
	(pc) =	sbr.rel @p0 .LBB2_1-.Ltmp1, $4  }
0x94: {  	[sflag:s12] =	ssyncset.done $0x0  }
0x95: {  	[sflag:s12] =	ssyncadd.s32 $0xFFFF0008  }
0x96: {  	_ =	swait.ge [sflag:s7], $0x40  }
0x97: {  	[sflag:s7] =	ssyncset.done $0x0  }
.LBB2_2:
0x98: {  	[sflag:s7] =	ssyncadd.s32 $0xFFFFFFC0  }
0x99: {  	_ =	sfence.sel $0x180000  }
0x9a: {  	[bflag:$0x0] =	sbarrier.arrive $0xFFFF  }
0x9b: {  	p0 =	sne.s32 s1, $0x0;
	_ =	strace $0x90000047  }
0x9c: {  	s0 =	sadd.s32 @!p0 $0x100000, s0;
	[bflag:$0x2] =	sbarrier.arrive $0xFFFF  }
0x9d: {  	[sflag:s0] =	ssyncadd.tile.s32 @!p0 $0x1;
	_ =	shalt  }
.Lfunc_end2:
_tile_overlayer_lowered:
.L_overlay_start_2:
0x9e: {  	(tag) =	ssettag $0x2  }
0x9f: {  	s0 =	rddreg [dreg:$0x0];
	s2 =	stileid.u32  }
0xa0: {  	s1 =	rddreg [dreg:$0x1];
	p0 =	sne.s32 s2, $0x0  }
0xa1: {  	s3 =	rddreg [dreg:$0x2];
	[bflag:$0x3] =	sbarrier.arrive $0xFFFF;
	s2 =	simm.s32 @!p0 $0x1C05  }
0xa2: {  	[timem:s3], [sflag:s2] =	dma.local @!p0 [hbm:s0], s1  }
0xa3: {  	s0 =	simm.s32 @!p0 $0x5  }
0xa4: {  	_ =	swait.ge @!p0 [sflag:s0], s1  }
0xa5: {  	s1 =	ssub.s32 @!p0 $0x0, s1;
	[sflag:s0] =	ssyncset.done @!p0 $0x0  }
0xa6: {  	[sflag:s0] =	ssyncadd.s32 @!p0 s1  }
0xa7: {  	[bflag:$0x3] =	sbarrier.arrive $0xFFFF  }
0xa8: {  	_ =	shalt  }

</sc_bundles>
